<compile_context>
chip_gen: v7x
topology: tpu7x:2x2x1
jax: 0.10.2.dev20260603
libtpu: 0.0.44.dev20260713+nightly
codegen_flags: <defaults>
</compile_context>

<pallas_src>
import functools

import jax
import jax.numpy as jnp
from jax import lax
from jax.experimental import pallas as pl
from jax.experimental.pallas import tpu as pltpu
from jax.experimental.pallas import tpu_sc as plsc

N_NODES = 10000
N_EDGES = 320000
D = 128

_info = plsc.get_sparse_core_info()
_NC, _NS, _L = _info.num_cores, _info.num_subcores, _info.num_lanes
_NW = _NC * _NS
_EPW = ((N_EDGES + _NW - 1) // _NW + 127) // 128 * 128



def _proj_body(x_ref, w_ref, o_ref):
    o_ref[...] = jnp.dot(x_ref[...], w_ref[...],
                         preferred_element_type=jnp.float32)


def _project(X, Wc):
    return pl.pallas_call(
        _proj_body,
        out_shape=jax.ShapeDtypeStruct((N_NODES, 2), jnp.float32),
    )(X, Wc)



@functools.partial(
    pl.kernel,
    out_type=jax.ShapeDtypeStruct((N_EDGES,), jnp.float32),
    mesh=plsc.VectorSubcoreMesh(core_axis_name="c", subcore_axis_name="s"),
    compiler_params=pltpu.CompilerParams(needs_layout_passes=False),
    scratch_types=[
        pltpu.VMEM((2 * N_NODES,), jnp.float32),
        pltpu.VMEM((2, _EPW), jnp.int32),
        pltpu.VMEM((_EPW,), jnp.float32),
        pltpu.VMEM_SHARED((2 * N_NODES,), jnp.float32),
        pltpu.SemaphoreType.DMA,
    ],
)
def _sc_gather_add(y_hbm, edge_hbm, out_hbm, y_v, e_v, out_v, y_sp, sem):
    wid = lax.axis_index("s") * _NC + lax.axis_index("c")
    base = jnp.minimum(wid * _EPW, N_EDGES - _EPW)
    ce = pltpu.async_copy(edge_hbm.at[:, pl.ds(base, _EPW)], e_v, sem)
    @pl.when(lax.axis_index("s") == 0)
    def _():
        pltpu.sync_copy(y_hbm, y_sp)

    plsc.subcore_barrier()
    pltpu.sync_copy(y_sp, y_v)
    ce.wait()

    @plsc.parallel_loop(0, _EPW, step=_L, unroll=4)
    def _body(off):
        s = e_v[0, pl.ds(off, _L)]
        d = e_v[1, pl.ds(off, _L)]
        a = plsc.load_gather(y_v, [s * 2])
        b = plsc.load_gather(y_v, [d * 2 + 1])
        out_v[pl.ds(off, _L)] = a + b

    pltpu.sync_copy(out_v, out_hbm.at[pl.ds(base, _EPW)])



def kernel(X, edge_index, W1, W2):
    Wc = jnp.concatenate([W1, W2], axis=1)
    y = _project(X, Wc)
    out = _sc_gather_add(y.reshape(-1), edge_index)
    return out[:, None]

# --- scband reference (transcript-rebuilt; emitter-appended) ---
"""Pipeline reference for scband-mcmhedge-decoder-69681549410500 (READ-ONLY COPY).

The authoritative reference and input builder live on the scoring server;
editing this copy changes nothing except your own understanding.
"""

import jax, jax.numpy as jnp
import numpy as np


def setup_inputs(seed: int = 0) -> dict:
    key = jax.random.key(seed)
    k1, k2, k3, k4 = jax.random.split(key, 4)
    X = jax.random.normal(k1, (10000, 128), dtype=jnp.float32)
    edge_index = jax.random.randint(k2, (2, 320000), 0, 10000, dtype=jnp.int32)
    # Linear(in_channels=128, out_channels=1, bias=False) weights, stored as [in, out]
    W1 = jax.random.normal(k3, (128, 1), dtype=jnp.float32) * (1.0 / np.sqrt(128.0))
    W2 = jax.random.normal(k4, (128, 1), dtype=jnp.float32) * (1.0 / np.sqrt(128.0))
    return {"X": X, "edge_index": edge_index, "W1": W1, "W2": W2}


def reference(X, edge_index, W1, W2):
    # E[i,j] = W1 @ X[src] + W2 @ X[dst]
    src = jnp.take(X, edge_index[0], axis=0)  # gather [E, d]
    dst = jnp.take(X, edge_index[1], axis=0)  # gather [E, d]
    return src @ W1 + dst @ W2  # [E, 1]

if __name__ == "__main__":
    import jax
    _d = setup_inputs()
    print(jax.jit(kernel)(*tuple(_d.values())))

</pallas_src>

<mosaic_0001>
#map = affine_map<(d0, d1) -> (0)>
#map1 = affine_map<(d0, d1) -> (0, 0)>
module attributes {stable_mosaic.version = 14 : i64} {
  func.func @_sc_gather_add(%arg0: i32, %arg1: i32, %arg2: memref<20000xf32, #tpu.memory_space<hbm>>, %arg3: memref<2x320000xi32, #tpu.memory_space<hbm>>, %arg4: memref<320000xf32, #tpu.memory_space<hbm>>, %arg5: memref<20000xf32, #tpu.memory_space<vmem>>, %arg6: memref<2x10112xi32, #tpu.memory_space<vmem>>, %arg7: memref<10112xf32, #tpu.memory_space<vmem>>, %arg8: memref<20000xf32, #tpu.memory_space<vmem_shared>>, %arg9: memref<!tpu.dma_semaphore, #tpu.memory_space<semaphore_mem>>) attributes {dimension_semantics = [#tpu.dimension_semantics<core_parallel>, #tpu.dimension_semantics<subcore_parallel>], iteration_bounds = array<i64: 2, 16>, scalar_prefetch = 0 : i64, scratch_operands = 5 : i64, tpu.core_type = #tpu.core_type<sc_vector_subcore>, window_params = [{transform_indices = #map}, {transform_indices = #map1}, {transform_indices = #map}]} {
    %mul3A = arith.constant 2 : i32
    %mul3A_0 = arith.muli %arg1, %mul3A : i32
    %add3A = arith.addi %mul3A_0, %arg0 : i32
    %mul3A_1 = arith.constant 10112 : i32
    %mul3A_2 = arith.muli %add3A, %mul3A_1 : i32
    %min3A = arith.constant 309888 : i32
    %min3A_3 = arith.minsi %mul3A_2, %min3A : i32
    %dma_start3A = arith.constant 0 : i32
    %dma_start3A_4 = tpu.memref_slice %arg3[%dma_start3A, %min3A_3] : memref<2x320000xi32, #tpu.memory_space<hbm>> -> memref<2x10112xi32, #tpu.memory_space<hbm>>
    %dma_start3A_5 = arith.constant 0 : i32
    %dma_start3A_6 = tpu.memref_slice %arg3[%dma_start3A_5, %min3A_3] : memref<2x320000xi32, #tpu.memory_space<hbm>> -> memref<2x10112xi32, #tpu.memory_space<hbm>>
    tpu.enqueue_dma source(%dma_start3A_6 : memref<2x10112xi32, #tpu.memory_space<hbm>>) target(%arg6 : memref<2x10112xi32, #tpu.memory_space<vmem>>) target_semaphore(%arg9 : memref<!tpu.dma_semaphore, #tpu.memory_space<semaphore_mem>>)
    %eq3A = arith.constant 0 : i32
    %eq3A_7 = arith.cmpi eq, %arg1, %eq3A : i32
    %convert_element_type3A = arith.extui %eq3A_7 : i1 to i32
    %cond3A = arith.constant 0 : i32
    %cond3A_8 = arith.cmpi ne, %convert_element_type3A, %cond3A : i32
    scf.if %cond3A_8 {
      "tpu.region"() ({
        %run_scoped3A = tpu.sem_alloc : memref<!tpu.dma_semaphore, #tpu.memory_space<semaphore_mem>>
        tpu.enqueue_dma source(%arg2 : memref<20000xf32, #tpu.memory_space<hbm>>) target(%arg8 : memref<20000xf32, #tpu.memory_space<vmem_shared>>) target_semaphore(%run_scoped3A : memref<!tpu.dma_semaphore, #tpu.memory_space<semaphore_mem>>)
        tpu.wait_dma2 semaphore(%run_scoped3A : memref<!tpu.dma_semaphore, #tpu.memory_space<semaphore_mem>>) src(%arg2 : memref<20000xf32, #tpu.memory_space<hbm>>) dst(%arg8 : memref<20000xf32, #tpu.memory_space<vmem_shared>>)
        tpu.yield
      }) : () -> ()
    } else {
    }
    %barrier3A = arith.constant 0 : index
    tpu.barrier barrier_id(%barrier3A)
    "tpu.region"() ({
      %run_scoped3A = tpu.sem_alloc : memref<!tpu.dma_semaphore, #tpu.memory_space<semaphore_mem>>
      tpu.enqueue_dma source(%arg8 : memref<20000xf32, #tpu.memory_space<vmem_shared>>) target(%arg5 : memref<20000xf32, #tpu.memory_space<vmem>>) target_semaphore(%run_scoped3A : memref<!tpu.dma_semaphore, #tpu.memory_space<semaphore_mem>>)
      tpu.wait_dma2 semaphore(%run_scoped3A : memref<!tpu.dma_semaphore, #tpu.memory_space<semaphore_mem>>) src(%arg8 : memref<20000xf32, #tpu.memory_space<vmem_shared>>) dst(%arg5 : memref<20000xf32, #tpu.memory_space<vmem>>)
      tpu.yield
    }) : () -> ()
    %dma_wait3A = arith.constant 0 : i32
    %dma_wait3A_9 = tpu.memref_slice %arg3[%dma_wait3A, %min3A_3] : memref<2x320000xi32, #tpu.memory_space<hbm>> -> memref<2x10112xi32, #tpu.memory_space<hbm>>
    %dma_wait3A_10 = arith.constant 0 : i32
    %dma_wait3A_11 = tpu.memref_slice %arg3[%dma_wait3A_10, %min3A_3] : memref<2x320000xi32, #tpu.memory_space<hbm>> -> memref<2x10112xi32, #tpu.memory_space<hbm>>
    tpu.wait_dma2 semaphore(%arg9 : memref<!tpu.dma_semaphore, #tpu.memory_space<semaphore_mem>>) src(%dma_wait3A_11 : memref<2x10112xi32, #tpu.memory_space<hbm>>) dst(%arg6 : memref<2x10112xi32, #tpu.memory_space<vmem>>)
    %parallel_loop3A = arith.constant 0 : i32
    %parallel_loop3A_12 = arith.constant 10112 : i32
    %parallel_loop3A_13 = arith.constant 16 : i32
    scf.for %parallel_loop3A_14 = %parallel_loop3A to %parallel_loop3A_12 step %parallel_loop3A_13  : i32 {
      %parallel_loop3A_15 = arith.constant 0 : i32
      %parallel_loop3A_16 = arith.index_cast %parallel_loop3A_15 : i32 to index
      %parallel_loop3A_17 = arith.index_cast %parallel_loop3A_14 : i32 to index
      %parallel_loop3A_18 = tpu.vector_load %arg6[%parallel_loop3A_16, %parallel_loop3A_17] {strides = array<i32>} : memref<2x10112xi32, #tpu.memory_space<vmem>>, vector<16xi32>,
      %parallel_loop3A_19 = arith.constant 1 : i32
      %parallel_loop3A_20 = arith.index_cast %parallel_loop3A_19 : i32 to index
      %parallel_loop3A_21 = arith.index_cast %parallel_loop3A_14 : i32 to index
      %parallel_loop3A_22 = tpu.vector_load %arg6[%parallel_loop3A_20, %parallel_loop3A_21] {strides = array<i32>} : memref<2x10112xi32, #tpu.memory_space<vmem>>, vector<16xi32>,
      %parallel_loop3A_23 = arith.constant 2 : i32
      %parallel_loop3A_24 = vector.broadcast %parallel_loop3A_23 : i32 to vector<16xi32>
      %parallel_loop3A_25 = arith.muli %parallel_loop3A_18, %parallel_loop3A_24 : vector<16xi32>
      %parallel_loop3A_26 = tpu.vector_load_idx %arg5[%parallel_loop3A_25] : memref<20000xf32, #tpu.memory_space<vmem>>[vector<16xi32>], vector<16xf32>,
      %parallel_loop3A_27 = arith.constant 2 : i32
      %parallel_loop3A_28 = vector.broadcast %parallel_loop3A_27 : i32 to vector<16xi32>
      %parallel_loop3A_29 = arith.muli %parallel_loop3A_22, %parallel_loop3A_28 : vector<16xi32>
      %parallel_loop3A_30 = arith.constant 1 : i32
      %parallel_loop3A_31 = vector.broadcast %parallel_loop3A_30 : i32 to vector<16xi32>
      %parallel_loop3A_32 = arith.addi %parallel_loop3A_29, %parallel_loop3A_31 : vector<16xi32>
      %parallel_loop3A_33 = tpu.vector_load_idx %arg5[%parallel_loop3A_32] : memref<20000xf32, #tpu.memory_space<vmem>>[vector<16xi32>], vector<16xf32>,
      %parallel_loop3A_34 = arith.addf %parallel_loop3A_26, %parallel_loop3A_33 : vector<16xf32>
      %parallel_loop3A_35 = arith.index_cast %parallel_loop3A_14 : i32 to index
      %parallel_loop3A_36 = tpu.vector_load %arg7[%parallel_loop3A_35] {strides = array<i32>} : memref<10112xf32, #tpu.memory_space<vmem>>, vector<16xf32>,
      tpu.vector_store %arg7[%parallel_loop3A_35], %parallel_loop3A_34 {strides = array<i32>} : memref<10112xf32, #tpu.memory_space<vmem>>, vector<16xf32>,
    } {sc.loop_unroll_factor = 4 : i64, sc.parallel_access}
    "tpu.region"() ({
      %run_scoped3A = tpu.sem_alloc : memref<!tpu.dma_semaphore, #tpu.memory_space<semaphore_mem>>
      %dma_start3A_14 = tpu.memref_slice %arg4[%min3A_3] : memref<320000xf32, #tpu.memory_space<hbm>> -> memref<10112xf32, #tpu.memory_space<hbm>>
      %dma_start3A_15 = tpu.memref_slice %arg4[%min3A_3] : memref<320000xf32, #tpu.memory_space<hbm>> -> memref<10112xf32, #tpu.memory_space<hbm>>
      tpu.enqueue_dma source(%arg7 : memref<10112xf32, #tpu.memory_space<vmem>>) target(%dma_start3A_15 : memref<10112xf32, #tpu.memory_space<hbm>>) target_semaphore(%run_scoped3A : memref<!tpu.dma_semaphore, #tpu.memory_space<semaphore_mem>>)
      %dma_wait3A_16 = tpu.memref_slice %arg4[%min3A_3] : memref<320000xf32, #tpu.memory_space<hbm>> -> memref<10112xf32, #tpu.memory_space<hbm>>
      %dma_wait3A_17 = tpu.memref_slice %arg4[%min3A_3] : memref<320000xf32, #tpu.memory_space<hbm>> -> memref<10112xf32, #tpu.memory_space<hbm>>
      tpu.wait_dma2 semaphore(%run_scoped3A : memref<!tpu.dma_semaphore, #tpu.memory_space<semaphore_mem>>) src(%arg7 : memref<10112xf32, #tpu.memory_space<vmem>>) dst(%dma_wait3A_17 : memref<10112xf32, #tpu.memory_space<hbm>>)
      tpu.yield
    }) : () -> ()
    return
  }
}

module attributes {stable_mosaic.version = 14 : i64} {
  func.func @_proj_body(%arg0: memref<10000x128xf32, #tpu.memory_space<vmem>>, %arg1: memref<128x2xf32, #tpu.memory_space<vmem>>, %arg2: memref<10000x2xf32, #tpu.memory_space<vmem>>) attributes {dimension_semantics = [], scalar_prefetch = 0 : i64, scratch_operands = 0 : i64, tpu.core_type = #tpu.core_type<tc>} {
    %get3A = arith.constant 0 : index
    %get3A_0 = arith.constant 0 : index
    %get3A_1 = vector.load %arg0[%get3A, %get3A_0] : memref<10000x128xf32, #tpu.memory_space<vmem>>, vector<10000x128xf32>
    %get3A_2 = arith.constant 0 : index
    %get3A_3 = arith.constant 0 : index
    %get3A_4 = vector.load %arg1[%get3A_2, %get3A_3] : memref<128x2xf32, #tpu.memory_space<vmem>>, vector<128x2xf32>
    %dot_general3A = arith.constant dense<0.000000e+00> : vector<10000x2xf32>
    %dot_general3A_5 = tpu.matmul %get3A_1, %get3A_4, %dot_general3A {dimension_numbers = #tpu.dot_dimension_numbers<[1], [0], [0], [1], [0, 0, 1, 1], [], []>, transpose_lhs_hint = false} : vector<10000x128xf32>, vector<128x2xf32>, vector<10000x2xf32> -> vector<10000x2xf32>
    %swap3A = arith.constant 0 : index
    %swap3A_6 = arith.constant 0 : index
    %swap3A_7 = vector.load %arg2[%swap3A, %swap3A_6] : memref<10000x2xf32, #tpu.memory_space<vmem>>, vector<10000x2xf32>
    tpu.vector_store %arg2[%swap3A, %swap3A_6], %dot_general3A_5 {strides = array<i32>} : memref<10000x2xf32, #tpu.memory_space<vmem>>, vector<10000x2xf32>,
    return
  }
}

</mosaic_0001>

<sc_bundles>
// kernel: kernel.4.cloned.1.call-start
scs
__scs_entry_jumppad:
0x0: {  	(pc) =	sbr.rel $0x88, $3  }
0x1: {  	(tag) =	ssettag $0x0;
	lr =	simm.s32 $0x1  }
0x2: {  	[smem:$0x3F9D] =	sst lr;
	_ =	strace $0xD0000000  }
0x3: {  	_ = 	snop  }
0x4: {  	_ = 	snop  }
0x5: {  	_ = 	snop  }
0x6: {  	_ = 	snop  }
0x7: {  	_ = 	snop  }
__scs_overlays_trampoline_lowered:
0x8: {  	[smem:$0x3FAC] =	sst s0  }
0x9: {  	[smem:$0x3FAD] =	sst s1  }
0xa: {  	[smem:$0x3FAE] =	sst s2  }
0xb: {  	[smem:$0x3FAF] =	sst s3  }
0xc: {  	[smem:$0x3FB0] =	sst s4  }
0xd: {  	[smem:$0x3FB1] =	sst s5  }
0xe: {  	[smem:$0x3FB2] =	sst s6  }
0xf: {  	[smem:$0x3FB3] =	sst s7  }
0x10: {  	[smem:$0x3FB4] =	sst s8  }
0x11: {  	[smem:$0x3FB5] =	sst s9;
	s0 =	simm.s32 @!p0 $0x0  }
0x12: {  	s1 =	sld [smem:$0x3F9B];
	s0 =	simm.s32 @p0 $0x1  }
0x13: {  	[smem:$0x3FB6] =	sst s0;
	s0 =	simm.s32 @!p1 $0x0  }
0x14: {  	s2 =	sld [smem:$0x3F9A];
	s0 =	simm.s32 @p1 $0x1  }
0x15: {  	[smem:$0x3FB7] =	sst s0;
	s0 =	simm.s32 @!p2 $0x0  }
0x16: {  	s3 =	sld [smem:$0x3FDB];
	s0 =	simm.s32 @p2 $0x1  }
0x17: {  	s4 =	simm.s32 $0x1BF5;
	[smem:$0x3FB9] =	sst s0  }
0x18: {  	s0 =	sld [smem:$0x3F9C];
	_ =	swait.ge [sflag:s4], $0x0  }
0x19: {  	s7 =	sld [smem:$0x3F9D]  }
0x1a: {  	s8 =	sadd.s32 $0xFFFFE003, lr  }
0x1b: {  	s9 =	sadd.s32 $0xFFFFFEF7, lr;
	s5 =	simm.s32 $0xFFFFFFFF;
	p2 =	slt.u32 s8, $0xFFFFF086  }
0x1c: {  	p1 =	slt.u32 s9, $0xF7A;
	s5 =	simm.s32 @!p2 $0x0  }
0x1d: {  	s5 =	simm.s32 @p1 $0x1;
	p0 =	seq.s32 s7, s2  }
0x1e: {  	s7 =	smul.u32 @!p0 $0xF7A, s2;
	p2 =	seq.s32 @!p0 s5, $0x0  }
0x1f: {  	s9 =	smul.u32 $0xF7A, s1;
	s8 =	simm.s32 @!p0 $0x1BF5;
	p2 =	por !p2, p0  }
0x20: {  	[sflag:s8] =	ssyncset.s32 @!p0 $0xFFFFF086;
	s6 =	sadd.s32 @!p0 s3, s7;
	s7 =	simm.s32 @!p0 $0x108  }
0x21: {  	s3 =	sadd.s32 s3, s9;
	s6 =	sadd.s32 @!p0 $0x88, s6;
	s7 =	simm.s32 @p2 $0x1082  }
0x22: {  	[simem:s7], [sflag:s8] =	dma.local @!p0 [hbm:s6], $0xF7A  }
0x23: {  	s9 =	sor.u32 $0xD0000000, s2;
	s6 =	simm.s32 $0x108;
	_ =	swait.ge @!p0 [sflag:s8], $0x0  }
0x24: {  	s3 =	sadd.s32 $0x88, s3;
	s6 =	simm.s32 @!p1 $0x1082;
	[sflag:s4] =	ssyncset.s32 $0xFFFFF086  }
0x25: {  	[simem:s6], [sflag:s4] =	dma.local [hbm:s3], $0xF7A  }
0x26: {  	[smem:$0x3F9D] =	sst s1;
	(tag) =	ssettag s2;
	_ =	strace s9  }
0x27: {  	s1 =	sld [smem:$0x3FAD]  }
0x28: {  	s2 =	sld [smem:$0x3FAE]  }
0x29: {  	s4 =	sld [smem:$0x3FB0]  }
0x2a: {  	p0 =	seq.s32 s5, $0x0;
	s5 =	sld [smem:$0x3FB1]  }
0x2b: {  	s6 =	sld [smem:$0x3FB2]  }
0x2c: {  	s7 =	sld [smem:$0x3FB3]  }
0x2d: {  	s3 =	simm.s32 $0x108;
	s8 =	sld [smem:$0x3FB4]  }
0x2e: {  	s3 =	simm.s32 @!p0 $0x1082;
	s9 =	sld [smem:$0x3FB5]  }
0x2f: {  	lr =	sadd.s32 s0, s3;
	s0 =	sld [smem:$0x3FAC]  }
0x30: {  	s3 =	sld [smem:$0x3FAF]  }
0x31: {  	[smem:$0x3FB8] =	sst s10  }
0x32: {  	s10 =	sld [smem:$0x3FB6];
	_ =	sdelay $0x3  }
0x33: {  	p0 =	seq.s32 s10, $0x1;
	s10 =	sld [smem:$0x3FB8];
	_ =	sdelay $0x3  }
0x34: {  	[smem:$0x3FB8] =	sst s10  }
0x35: {  	s10 =	sld [smem:$0x3FB7];
	_ =	sdelay $0x3  }
0x36: {  	p1 =	seq.s32 s10, $0x1;
	s10 =	sld [smem:$0x3FB8];
	_ =	sdelay $0x3  }
0x37: {  	[smem:$0x3FB8] =	sst s10  }
0x38: {  	s10 =	sld [smem:$0x3FB9]  }
0x39: {  	_ = 	snop;
	(pc) =	sbr.ind lr, $3  }
0x3a: {  	_ = 	snop  }
0x3b: {  	_ = 	snop  }
0x3c: {  	p2 =	seq.s32 s10, $0x1;
	s10 =	sld [smem:$0x3FB8]  }
0x3d: {  	_ =	shalt  }
0x3e: {  	_ =	shalt  }
0x3f: {  	_ =	shalt  }
0x40: {  	_ =	shalt  }
0x41: {  	_ =	shalt  }
0x42: {  	_ =	shalt  }
0x43: {  	_ =	shalt  }
0x44: {  	_ =	shalt  }
0x45: {  	_ =	shalt  }
0x46: {  	_ =	shalt  }
0x47: {  	_ =	shalt  }
0x48: {  	_ =	shalt  }
0x49: {  	_ =	shalt  }
0x4a: {  	_ =	shalt  }
0x4b: {  	_ =	shalt  }
0x4c: {  	_ =	shalt  }
0x4d: {  	_ =	shalt  }
0x4e: {  	_ =	shalt  }
0x4f: {  	_ =	shalt  }
0x50: {  	_ =	shalt  }
0x51: {  	_ =	shalt  }
0x52: {  	_ =	shalt  }
0x53: {  	_ =	shalt  }
0x54: {  	_ =	shalt  }
0x55: {  	_ =	shalt  }
0x56: {  	_ =	shalt  }
0x57: {  	_ =	shalt  }
0x58: {  	_ =	shalt  }
0x59: {  	_ =	shalt  }
0x5a: {  	_ =	shalt  }
0x5b: {  	_ =	shalt  }
0x5c: {  	_ =	shalt  }
0x5d: {  	_ =	shalt  }
0x5e: {  	_ =	shalt  }
0x5f: {  	_ =	shalt  }
0x60: {  	_ =	shalt  }
0x61: {  	_ =	shalt  }
0x62: {  	_ =	shalt  }
0x63: {  	_ =	shalt  }
0x64: {  	_ =	shalt  }
0x65: {  	_ =	shalt  }
0x66: {  	_ =	shalt  }
0x67: {  	_ =	shalt  }
0x68: {  	_ =	shalt  }
0x69: {  	_ =	shalt  }
0x6a: {  	_ =	shalt  }
0x6b: {  	_ =	shalt  }
0x6c: {  	_ =	shalt  }
0x6d: {  	_ =	shalt  }
0x6e: {  	_ =	shalt  }
0x6f: {  	_ =	shalt  }
0x70: {  	_ =	shalt  }
0x71: {  	_ =	shalt  }
0x72: {  	_ =	shalt  }
0x73: {  	_ =	shalt  }
0x74: {  	_ =	shalt  }
0x75: {  	_ =	shalt  }
0x76: {  	_ =	shalt  }
0x77: {  	_ =	shalt  }
0x78: {  	_ =	shalt  }
0x79: {  	_ =	shalt  }
0x7a: {  	_ =	shalt  }
0x7b: {  	_ =	shalt  }
0x7c: {  	_ =	shalt  }
0x7d: {  	_ =	shalt  }
0x7e: {  	_ =	shalt  }
0x7f: {  	_ =	shalt  }
0x80: {  	_ =	shalt  }
0x81: {  	_ =	shalt  }
0x82: {  	_ =	shalt  }
0x83: {  	_ =	shalt  }
0x84: {  	_ =	shalt  }
0x85: {  	_ =	shalt  }
0x86: {  	_ =	shalt  }
0x87: {  	_ =	shalt  }
.Lfunc_end0:
.L_simem_size_0:
called_computation_lowered:
.L_overlay_start_0:
0x88: {  	s2 =	sld [smem:$0x3FD9]  }
0x89: {  	s3 =	sld [smem:$0x3FFE];
	_ =	sdelay $0x1  }
0x8a: {  	s1 =	srdreg.scid  }
0x8b: {  	s0 =	sand.u32 $0x1, s1  }
0x8c: {  	s17 =	sshll.u32 s0, $0xA;
	s2 =	sadd.s32 s3, s2  }
0x8d: {  	s2 =	sadd.s32 s2, s17  }
0x8e: {  	[smem:$0x3FC4] =	sst s2  }
0x8f: {  	_ = 	snop  }
0x90: {  	s2 =	sld [smem:$0x3FC8]  }
0x91: {  	s18 =	sld [smem:$0x3FD0];
	(tm) =	ssettm $0x1  }
0x92: {  	s4 =	sld [smem:$0x3FFB];
	_ =	sdelay $0x3  }
0x93: {  	_ =	strace s4  }
0x94: {  	s4 =	sld [smem:$0x3FFC];
	_ =	sdelay $0x3  }
0x95: {  	_ =	strace s4  }
0x96: {  	s4 =	sld [smem:$0x3FFD];
	_ =	sdelay $0x3  }
0x97: {  	_ =	strace s4  }
0x98: {  	_ =	strace $0x8FFFFFFF  }
0x99: {  	s19 =	sld [smem:$0x3FDB];
	_ =	sdelay $0x1  }
0x9a: {  	s5 =	simm.s32 $_scs_section_size  }
0x9b: {  	s6 =	simm.s32 $_size__tile_overlayer_lowered;
	s7 =	simm.s32 $_tile_overlayer_lowered  }
0x9c: {  	s22 =	simm.s32 $0x1BFF;
	s21 =	sshll.u32 s7, $0x1;
	s4 =	sadd.s32 s5, s19  }
0x9d: {  	s8 =	simm.s32 $0x0;
	s20 =	sshll.u32 s6, $0x1;
	s6 =	sadd.s32 s21, s4  }
0x9e: {  	[timem:s8], [sflag:s22] =	dma.local [hbm:s6], s20  }
0x9f: {  	_ =	swait.ge [sflag:s22], s20  }
0xa0: {  	s5 =	ssub.s32 $0x0, s20;
	[sflag:s22] =	ssyncset.done $0x0  }
0xa1: {  	[sflag:s22] =	ssyncadd.s32 s5;
	_ =	sdelay $0x1  }
0xa2: {  	s23 =	simm.s32 $0x1B8B  }
0xa3: {  	_ =	swait.ge [sflag:s23], $0x1  }
0xa4: {  	[sflag:s23] =	ssyncset.done $0x0  }
0xa5: {  	s25 =	simm.s32 $0x1B8E;
	s24 =	sld [smem:$0x3FFE];
	[sflag:s23] =	ssyncadd.s32 $0xFFFFFFFF  }
0xa6: {  	s26 =	simm.s32 $execute0_lowered;
	[smem:$0x3FD2] =	sst s25  }
0xa7: {  	s6 =	sshll.u32 s26, $0x1;
	_ =	strace $0x80000046;
	[dreg:$0x1] =	wrdreg $0xFFFFFFFF  }
0xa8: {  	s28 =	simm.s32 $_size_execute0_lowered;
	s4 =	sadd.s32 s4, s6;
	[dreg:$0x0] =	wrdreg $0x0  }
0xa9: {  	s6 =	sshll.u32 s28, $0x1;
	[dreg:$0x2] =	wrdreg s4  }
0xaa: {  	[dreg:$0x3] =	wrdreg s6  }
0xab: {  	[dreg:$0x4] =	wrdreg $0xC0  }
0xac: {  	_ =	task [dreg:s8], $0x5FFFF  }
0xad: {  	[dreg:$0x1] =	wrdreg $0xFFFFFFFF  }
0xae: {  	[dreg:$0x0] =	wrdreg $0x60  }
0xaf: {  	[dreg:$0x2] =	wrdreg s18  }
0xb0: {  	[dreg:$0x3] =	wrdreg s2  }
0xb1: {  	[dreg:$0x4] =	wrdreg s24  }
0xb2: {  	[dreg:$0x5] =	wrdreg $0xC5000  }
0xb3: {  	[dreg:$0x6] =	wrdreg $0x9  }
0xb4: {  	_ =	task.clear_ibuf [dreg:s8], $0x7FFFF;
	_ =	strace $0x90000046  }
0xb5: {  	s29 =	simm.s32 $0x9;
	_ =	strace $0x80000048  }
0xb6: {  	_ =	swait.ge [sflag:s29], $0x1  }
0xb7: {  	[sflag:s29] =	ssyncadd.s32 $0xFFFFFFFF  }
0xb8: {  	_ =	strace $0x90000048  }
0xb9: {  	_ =	sfence  }
0xba: {  	s30 =	sld [smem:$0x0];
	_ =	sdelay $0x2  }
0xbb: {  	s31 =	sshll.u32 s1, $0xD;
	s1 =	sshrl.u32 s1, $0x2  }
0xbc: {  	s3 =	sand.u32 $0x4000, s31;
	s1 =	sadd.s32 s1, s30  }
0xbd: {  	s0 =	sor.u32 s3, s0;
	s1 =	sshll.u32 s1, $0x11  }
0xbe: {  	s0 =	sor.u32 s1, s0  }
0xbf: {  	s0 =	sadd.s32 $0x8F2B, s0  }
0xc0: {  	[sflag:s0] =	ssyncadd.remote.s32 $0x1  }
0xc1: {  	_ =	sfence.sel $0xFFFF  }
0xc2: {  	[dreg:$0x0] =	wrdreg $0xFFFFFFFF;
	(pc) =	sbr.abs _section_cstart, $3  }
0xc3: {  	[dreg:$0x1] =	wrdreg $0xFFFFFFFF  }
0xc4: {  	_ =	task.clear_ibuf [dreg:s8], $0x2FFFF;
	_ =	strace $0x9FFFFFFF  }
0xc5: {  	(tm) =	ssettm $0x7FFFFFFF  }
tec
execute0_lowered:
.L_overlay_start_1:
0x0: {  	(tag) =	ssettag $0x1  }
0x1: {  	s0 =	rddreg [dreg:$0x0]  }
0x2: {  	s4 =	rddreg [dreg:$0x1]  }
0x3: {  	s1 =	srdreg.scid;
	s5 =	rddreg [dreg:$0x2]  }
0x4: {  	s7 =	stileid.u32;
	s2 =	rddreg [dreg:$0x3];
	s3 =	simm.s32 $0x0  }
0x5: {  	s11 =	simm.s32 $0x9D80;
	s6 =	sand.u32 $0x1, s1;
	s31 =	sshll.u32 s7, $0x1  }
0x6: {  	s12 =	simm.s32 $0x0;
	s1 =	rddreg [dreg:$0x4];
	s8 =	sor.u32 s6, s31  }
0x7: {  	[smem:$0x7FF] =	sst s3;
	s6 =	ssub.s32 $0x2, s6;
	s8 =	smul.u32 $0x2780, s8  }
0x8: {  	p0 =	sne.s32 s7, $0x0;
	s7 =	simm.s32 $0x4E80;
	s10 =	sshrl.u32 s6, $0x1  }
0x9: {  	_ =	strace $0x80000047;
	s6 =	ssub.s32 s6, s10;
	s8 =	smin.u32 s8, $0x4BA80  }
0xa: {  	s10 =	simm.s32 $0x1;
	s9 =	sshrl.u32 s8, $0x3;
	s8 =	sshrl.u32 s8, $0x2  }
0xb: {  	s6 =	smax.u32 s6, $0x1;
	s5 =	sadd.s32 s9, s5;
	s4 =	sadd.s32 s4, s8  }
0xc: {  	s8 =	sshrl.u32 @!p0 s2, $0x3;
	s9 =	simm.s32 $0x2;
	s5 =	sadd.s32 $0x600, s5  }
.LBB2_1:
0xd: {  	[tilespmem:s7], [sflag:$0x1] =	stream.linear.gather [hbm4b:s4+s3], $0x4F00, $0x38;
	[tilespmem:$0xC9E8] =	vst v63  }
0xe: {  	s13 =	simm.s32 @!p0 $0x1C02  }
0xf: {  	[spmem:s8], [sflag:s13] =	dma.local @!p0 [hbm:s0], $0x9D0  }
0x10: {  	s13 =	simm.s32 @!p0 $0x2  }
0x11: {  	_ =	swait.ge @!p0 [sflag:s13], $0x9D0  }
0x12: {  	[sflag:s13] =	ssyncset.done @!p0 $0x0  }
0x13: {  	[sflag:s13] =	ssyncadd.s32 @!p0 $0xFFFFF630  }
0x14: {  	[bflag:$0x0] =	sbarrier.arrive $0xFFFF  }
0x15: {  	[tilespmem:s3], [sflag:$0x2] =	stream.linear.gather [spmem:s2], $0x4E80, $0x38;
	[tilespmem:$0xC9E8] =	vst v63  }
0x16: {  	_ =	swait.ge [sflag:s9], $0x4E80  }
0x17: {  	[sflag:s9] =	ssyncset.done $0x0  }
0x18: {  	s21 =	simm.s32 $0x0;
	[sflag:s9] =	ssyncadd.s32 $0xFFFFB180  }
0x19: {  	s14 =	sand.u32 $0x7F00, s3;
	s30 =	sand.u32 $0x40, s21;
	_ =	swait.ge [sflag:s10], $0x4F00  }
0x1a: {  	s14 =	sadd.s32 $0x4E80, s14;
	s20 =	sor.u32 $0x30, s30;
	[sflag:s10] =	ssyncset.done $0x0  }
0x1b: {  	s15 =	sor.u32 s20, s14;
	[sflag:s10] =	ssyncadd.s32 $0xFFFFB100  }
0x1c: {  	s19 =	sor.u32 $0x10, s30;
	v0 =	vld [tilespmem:s15+$0x0]  }
0x1d: {  	s16 =	sor.u32 s19, s14;
	v1 =	vld [tilespmem:s15+$0x80]  }
0x1e: {  	s13 =	sor.u32 s30, s14;
	v2 =	vld [tilespmem:s16+$0x80]  }
0x1f: {  	v4 =	vld [tilespmem:s13+$0x80]  }
0x20: {  	s24 =	simm.s32 $0x40;
	s18 =	sor.u32 $0x20, s30;
	v5 =	vld [tilespmem:s16+$0x0];
	s15 =	simm.s32 $0x80  }
0x21: {  	s31 =	sor.u32 s18, s14;
	v7 =	vld [tilespmem:s13+$0x0];
	s16 =	sand.u32 $0x40, s24;
	s13 =	sand.u32 $0x7F00, s15  }
0x22: {  	v3 =	vld [tilespmem:s31+$0x80];
	s23 =	sor.u32 $0x20, s16;
	s13 =	sadd.s32 $0x4E80, s13  }
0x23: {  	v6 =	vld [tilespmem:s31+$0x0];
	s22 =	sor.u32 $0x30, s16;
	s25 =	sor.u32 $0x10, s16;
	s28 =	sor.u32 s23, s13;
	v0 =	vshll.u32 v0, $0x1  }
0x24: {  	s17 =	sor.u32 s22, s13;
	s26 =	sor.u32 s25, s13;
	s13 =	sor.u32 s16, s13;
	v11 =	vld [tilespmem:s28+$0x80];
	v1 =	vshll.u32 v1, $0x1  }
0x25: {  	v12 =	vld [tilespmem:s13+$0x80];
	v2 =	vshll.u32 v2, $0x1;
	v1 =	vor.u32 $0x1, v1  }
0x26: {  	v13 =	vld [tilespmem:s26+$0x0];
	v2 =	vor.u32 $0x1, v2  }
0x27: {  	v14 =	vld [tilespmem:s28+$0x0]  }
0x28: {  	v8 =	vld.idx.msk [tilespmem:v0+s3+$0x0], $0xffff  }
0x29: {  	v0 =	vld [tilespmem:s17+$0x0]  }
0x2a: {  	v5 =	vshll.u32 v5, $0x1;
	v9 =	vld.idx.msk [tilespmem:v1+s3+$0x0], $0xffff  }
0x2b: {  	v6 =	vshll.u32 v6, $0x1;
	v10 =	vld.idx.msk [tilespmem:v2+s3+$0x0], $0xffff  }
0x2c: {  	v3 =	vshll.u32 v3, $0x1;
	v7 =	vshll.u32 v7, $0x1;
	v1 =	vld [tilespmem:s17+$0x80]  }
0x2d: {  	v4 =	vshll.u32 v4, $0x1;
	v3 =	vor.u32 $0x1, v3;
	v2 =	vld [tilespmem:s26+$0x80]  }
0x2e: {  	v15 =	vld [tilespmem:s13+$0x0];
	v4 =	vor.u32 $0x1, v4  }
0x2f: {  	v11 =	vshll.u32 v11, $0x1;
	v5 =	vld.idx.msk [tilespmem:v5+s3+$0x0], $0xffff;
	v0 =	vshll.u32 v0, $0x1  }
0x30: {  	v11 =	vor.u32 $0x1, v11;
	v6 =	vld.idx.msk [tilespmem:v6+s3+$0x0], $0xffff  }
0x31: {  	v7 =	vld.idx.msk [tilespmem:v7+s3+$0x0], $0xffff;
	v1 =	vshll.u32 v1, $0x1  }
0x32: {  	s16 =	simm.s32 $0x80;
	v3 =	vld.idx.msk [tilespmem:v3+s3+$0x0], $0xffff;
	s17 =	simm.s32 $0x100;
	v2 =	vshll.u32 v2, $0x1;
	v1 =	vor.u32 $0x1, v1  }
0x33: {  	v12 =	vshll.u32 v12, $0x1;
	v4 =	vld.idx.msk [tilespmem:v4+s3+$0x0], $0xffff;
	s26 =	sand.u32 $0x40, s16;
	s29 =	sand.u32 $0x7F00, s17;
	v2 =	vor.u32 $0x1, v2  }
0x34: {  	v12 =	vor.u32 $0x1, v12;
	s13 =	sor.u32 $0x30, s26;
	s28 =	sadd.s32 $0x4E80, s29;
	v16 =	vld.idx.msk [tilespmem:v0+s3+$0x0], $0xffff  }
0x35: {  	s30 =	sor.u32 s13, s28;
	v0 =	vld.idx.msk [tilespmem:v11+s3+$0x0], $0xffff  }
0x36: {  	v11 =	vld [tilespmem:s30+$0x0]  }
0x37: {  	v17 =	vld.idx.msk [tilespmem:v1+s3+$0x0], $0xffff  }
0x38: {  	v1 =	vld.idx.msk [tilespmem:v2+s3+$0x0], $0xffff  }
0x39: {  	s14 =	sor.u32 $0x10, s26;
	v2 =	vld.idx.msk [tilespmem:v12+s3+$0x0], $0xffff  }
0x3a: {  	s15 =	sor.u32 $0x20, s26;
	s29 =	sor.u32 s14, s28;
	v12 =	vld [tilespmem:s30+$0x80]  }
0x3b: {  	s31 =	sor.u32 s15, s28;
	v18 =	vld [tilespmem:s29+$0x80]  }
0x3c: {  	s21 =	sand.u32 $0x3F80, s21;
	v13 =	vshll.u32 v13, $0x1;
	s26 =	sor.u32 s26, s28;
	v20 =	vld [tilespmem:s31+$0x80]  }
0x3d: {  	s21 =	sadd.s32 $0x9D80, s21;
	v8 =	vadd.f32 v9, v8;
	v9 =	vshll.u32 v15, $0x1;
	v15 =	vld [tilespmem:s26+$0x80]  }
0x3e: {  	s20 =	sor.u32 s20, s21;
	v14 =	vshll.u32 v14, $0x1;
	v19 =	vld [tilespmem:s29+$0x0];
	v3 =	vadd.f32 v3, v6  }
0x3f: {  	s18 =	sor.u32 s18, s21;
	v21 =	vld [tilespmem:s31+$0x0];
	v4 =	vadd.f32 v4, v7;
	[tilespmem:s20+$0x0] =	vst v8;
	v22 =	vshll.u32 v11, $0x1;
	v7 =	vshll.u32 v12, $0x1  }
0x40: {  	v5 =	vadd.f32 v10, v5;
	v8 =	vld [tilespmem:s26+$0x0];
	[tilespmem:s18+$0x0] =	vst v3;
	v3 =	vshll.u32 v18, $0x1;
	v10 =	vor.u32 $0x1, v7  }
0x41: {  	s19 =	sor.u32 s19, s21;
	v6 =	vld.idx.msk [tilespmem:v13+s3+$0x0], $0xffff;
	s30 =	sand.u32 $0x3F80, s24;
	v11 =	vor.u32 $0x1, v3;
	v12 =	vshll.u32 v20, $0x1  }
0x42: {  	[tilespmem:s19+$0x0] =	vst v5;
	v9 =	vld.idx.msk [tilespmem:v9+s3+$0x0], $0xffff;
	s31 =	sadd.s32 $0x9D80, s30;
	v3 =	vshll.u32 v15, $0x1;
	v5 =	vadd.f32 v17, v16;
	v12 =	vor.u32 $0x1, v12  }
0x43: {  	[tilespmem:s11+$0x0] =	vst v4;
	s18 =	simm.s32 $0x9D80;
	s19 =	sor.u32 s22, s31;
	v13 =	vor.u32 $0x1, v3;
	v7 =	vld.idx.msk [tilespmem:v14+s3+$0x0], $0xffff  }
0x44: {  	v4 =	vshll.u32 v19, $0x1;
	s20 =	sor.u32 s25, s31;
	s21 =	sor.u32 s23, s31;
	v3 =	vshll.u32 v21, $0x1;
	[tilespmem:s19+$0x0] =	vst v5;
	s19 =	simm.s32 $0x80;
	v5 =	vld.idx.msk [tilespmem:v22+s3+$0x0], $0xffff  }
.LBB2_2:
0x45: {  	s16 =	sadd.s32 $0x40, s16;
	v14 =	vshll.u32 v8, $0x1;
	v8 =	vld.idx.msk [tilespmem:v10+s3+$0x0], $0xffff;
	s17 =	sadd.s32 $0x80, s17  }
0x46: {  	s22 =	sand.u32 $0x40, s16;
	s23 =	sand.u32 $0x7F00, s17;
	p1 =	slt.u32 s16, $0x2740;
	v10 =	vld.idx.msk [tilespmem:v11+s3+$0x0], $0xffff  }
0x47: {  	v1 =	vadd.f32 v1, v6;
	s23 =	sadd.s32 $0x4E80, s23;
	s24 =	sor.u32 $0x10, s22;
	s25 =	sor.u32 $0x30, s22;
	v11 =	vld.idx.msk [tilespmem:v12+s3+$0x0], $0xffff  }
0x48: {  	s28 =	sor.u32 $0x20, s22;
	v0 =	vadd.f32 v0, v7;
	s26 =	sor.u32 s24, s23;
	s29 =	sor.u32 s25, s23;
	v6 =	vld.idx.msk [tilespmem:v13+s3+$0x0], $0xffff  }
0x49: {  	s22 =	sor.u32 s22, s23;
	s23 =	sor.u32 s28, s23;
	v2 =	vadd.f32 v2, v9;
	v7 =	vld [tilespmem:s29+$0x0];
	[tilespmem:s20+$0x0] =	vst v1  }
0x4a: {  	s18 =	sadd.s32 $0x40, s18;
	s20 =	sand.u32 $0x3F80, s19;
	s19 =	smov.u32 s16;
	v9 =	vld [tilespmem:s29+$0x80];
	[tilespmem:s21+$0x0] =	vst v0  }
0x4b: {  	s29 =	sadd.s32 $0x9D80, s20;
	v8 =	vadd.f32 v8, v5;
	v12 =	vld [tilespmem:s26+$0x80];
	[tilespmem:s18+$0x0] =	vst v2  }
0x4c: {  	s20 =	sor.u32 s14, s29;
	s21 =	sor.u32 s15, s29;
	s13 =	sor.u32 s13, s29;
	v1 =	vmov v10;
	v5 =	vld [tilespmem:s23+$0x80]  }
0x4d: {  	s14 =	smov.u32 s24;
	s15 =	smov.u32 s28;
	v0 =	vmov v11;
	v13 =	vld [tilespmem:s22+$0x80];
	[tilespmem:s13+$0x0] =	vst v8;
	s13 =	smov.u32 s25  }
0x4e: {  	v2 =	vmov v6;
	v15 =	vld [tilespmem:s26+$0x0]  }
0x4f: {  	v17 =	vshll.u32 v7, $0x1;
	v16 =	vld [tilespmem:s23+$0x0];
	v6 =	vshll.u32 v9, $0x1  }
.Ltmp0:
0x50: {  	v8 =	vld [tilespmem:s22+$0x0];
	v7 =	vshll.u32 v12, $0x1;
	v10 =	vor.u32 $0x1, v6;
	(pc) =	sbr.rel @p1 .LBB2_2-.Ltmp0, $4  }
0x51: {  	v11 =	vor.u32 $0x1, v7;
	v5 =	vshll.u32 v5, $0x1;
	v6 =	vld.idx.msk [tilespmem:v4+s3+$0x0], $0xffff  }
0x52: {  	v4 =	vshll.u32 v13, $0x1;
	v12 =	vor.u32 $0x1, v5;
	v7 =	vld.idx.msk [tilespmem:v3+s3+$0x0], $0xffff  }
0x53: {  	v13 =	vor.u32 $0x1, v4;
	v4 =	vshll.u32 v15, $0x1;
	v9 =	vld.idx.msk [tilespmem:v14+s3+$0x0], $0xffff  }
0x54: {  	v3 =	vshll.u32 v16, $0x1;
	v5 =	vld.idx.msk [tilespmem:v17+s3+$0x0], $0xffff  }
0x55: {  	_ =	sdelay $0x3  }
0x56: {  	v10 =	vld.idx.msk [tilespmem:v10+s3+$0x0], $0xffff  }
0x57: {  	v8 =	vshll.u32 v8, $0x1;
	v11 =	vld.idx.msk [tilespmem:v11+s3+$0x0], $0xffff  }
0x58: {  	v12 =	vld.idx.msk [tilespmem:v12+s3+$0x0], $0xffff  }
0x59: {  	v13 =	vld.idx.msk [tilespmem:v13+s3+$0x0], $0xffff  }
0x5a: {  	v4 =	vld.idx.msk [tilespmem:v4+s3+$0x0], $0xffff  }
0x5b: {  	v3 =	vld.idx.msk [tilespmem:v3+s3+$0x0], $0xffff;
	v1 =	vadd.f32 v1, v6  }
0x5c: {  	v0 =	vadd.f32 v0, v7;
	v59 =	vld.idx.msk [tilespmem:v8+s3+$0x0], $0xffff  }
0x5d: {  	s16 =	sand.u32 $0x3F80, s19;
	v2 =	vadd.f32 v2, v9;
	[tilespmem:s20+$0x0] =	vst v1  }
0x5e: {  	s17 =	sadd.s32 $0x40, s18;
	s16 =	sadd.s32 $0x9D80, s16;
	[tilespmem:s21+$0x0] =	vst v0;
	v60 =	vadd.f32 v10, v5  }
0x5f: {  	s13 =	sor.u32 s13, s16;
	[tilespmem:s17+$0x0] =	vst v2;
	v61 =	vadd.f32 v11, v4  }
0x60: {  	s14 =	sor.u32 s14, s16;
	v62 =	vadd.f32 v12, v3;
	[tilespmem:s13+$0x0] =	vst v60  }
0x61: {  	s12 =	sadd.s32 $0x1, s12;
	s30 =	sor.u32 s15, s16;
	[tilespmem:s14+$0x0] =	vst v61;
	v63 =	vadd.f32 v13, v59  }
0x62: {  	s31 =	sadd.s32 $0x40, s17;
	p1 =	sne.s32 s12, s6;
	[tilespmem:s30+$0x0] =	vst v62  }
.Ltmp1:
0x63: {  	[tilespmem:s31+$0x0] =	vst v63;
	(pc) =	sbr.rel @p1 .LBB2_1-.Ltmp1, $4  }
0x64: {  	[hbm4b:s5+s3] =	stream.linear.scatter [tilespmem:s11], [sflag:$0x2], $0x2780, $0x38;
	[tilespmem:$0xC9E8] =	vst v63  }
0x65: {  	_ =	swait.ge [sflag:s9], $0x2780  }
0x66: {  	[sflag:s9] =	ssyncset.done $0x0  }
0x67: {  	[sflag:s9] =	ssyncadd.s32 $0xFFFFD880  }
0x68: {  	_ =	sfence.sel $0x180000  }
0x69: {  	[bflag:$0x0] =	sbarrier.arrive $0xFFFF  }
0x6a: {  	_ =	strace $0x90000047  }
0x6b: {  	s0 =	sadd.s32 @!p0 $0x100000, s1;
	[bflag:$0x2] =	sbarrier.arrive $0xFFFF  }
0x6c: {  	[sflag:s0] =	ssyncadd.tile.s32 @!p0 $0x1;
	_ =	shalt  }
.Lfunc_end2:
_tile_overlayer_lowered:
.L_overlay_start_2:
0x6d: {  	(tag) =	ssettag $0x2  }
0x6e: {  	s0 =	rddreg [dreg:$0x0];
	s2 =	stileid.u32  }
0x6f: {  	s1 =	rddreg [dreg:$0x1];
	p0 =	sne.s32 s2, $0x0  }
0x70: {  	s3 =	rddreg [dreg:$0x2];
	[bflag:$0x3] =	sbarrier.arrive $0xFFFF;
	s2 =	simm.s32 @!p0 $0x1C02  }
0x71: {  	[timem:s3], [sflag:s2] =	dma.local @!p0 [hbm:s0], s1  }
0x72: {  	s0 =	simm.s32 @!p0 $0x2  }
0x73: {  	_ =	swait.ge @!p0 [sflag:s0], s1  }
0x74: {  	s1 =	ssub.s32 @!p0 $0x0, s1;
	[sflag:s0] =	ssyncset.done @!p0 $0x0  }
0x75: {  	[sflag:s0] =	ssyncadd.s32 @!p0 s1  }
0x76: {  	[bflag:$0x3] =	sbarrier.arrive $0xFFFF  }
0x77: {  	_ =	shalt  }

</sc_bundles>
